<compile_context>
chip_gen: v7x
topology: tpu7x:2x2x1
jax: 0.10.2.dev20260603
libtpu: 0.0.44.dev20260713+nightly
codegen_flags: <defaults>
</compile_context>

<pallas_src>
import functools

import jax
import jax.numpy as jnp
from jax import lax
from jax.experimental import pallas as pl
from jax.experimental.pallas import tpu as pltpu
from jax.experimental.pallas import tpu_sc as plsc

NTOKEN = 100000
NINP = 128
BATCH = 4096
HIST = 50

_mesh = plsc.VectorSubcoreMesh(core_axis_name="c", subcore_axis_name="s")

NC = _mesh.num_cores
NS = _mesh.num_subcores
NW = NC * NS
S_PER_W = BATCH // NW
CHUNK = S_PER_W
NCHUNK = HIST
NBUF = 7
assert BATCH % NW == 0 and CHUNK <= 128


@functools.partial(
    pl.kernel,
    mesh=_mesh,
    compiler_params=pltpu.CompilerParams(
        disable_bounds_checks=True,
        disable_semaphore_checks=True,
        skip_device_barrier=True,
    ),
    out_type=jax.ShapeDtypeStruct((HIST, BATCH, NINP), jnp.float32),
    scratch_types=[
        pltpu.VMEM((NCHUNK, CHUNK), jnp.int32),
        pltpu.VMEM((NBUF, CHUNK, NINP), jnp.float32),
        pltpu.SemaphoreType.DMA((NBUF,)),
        pltpu.SemaphoreType.DMA((NBUF,)),
    ],
)
def _embed_lookup(table_hbm, idx_hbm, out_hbm, idx_v, rows_v, gsem, ssem):
    wid = lax.axis_index("s") * NC + lax.axis_index("c")
    sbase = wid * S_PER_W
    pltpu.sync_copy(idx_hbm.at[wid], idx_v)

    def gather(h, b):
        pltpu.make_async_copy(
            table_hbm.at[idx_v.at[h]], rows_v.at[b], gsem.at[b]
        ).start()

    def drain(h, b):
        pltpu.make_async_copy(
            table_hbm.at[idx_v.at[h]], rows_v.at[b], gsem.at[b]
        ).wait()

    def store_start(h, b):
        pltpu.make_async_copy(
            rows_v.at[b], out_hbm.at[h, pl.ds(sbase, CHUNK)], ssem.at[b]
        ).start()

    def store_wait(h, b):
        pltpu.make_async_copy(
            rows_v.at[b], out_hbm.at[h, pl.ds(sbase, CHUNK)], ssem.at[b]
        ).wait()

    for b in range(NBUF):
        gather(b, b)

    def body(h, _):
        b = lax.rem(h, NBUF)
        drain(h, b)
        store_start(h, b)

        @pl.when((h >= 1) & (h + NBUF - 1 < NCHUNK))
        def _():
            b2 = lax.rem(h + NBUF - 1, NBUF)
            store_wait(h - 1, b2)
            gather(h + NBUF - 1, b2)

        return 0

    lax.fori_loop(0, NCHUNK, body, 0)

    for k in range(NBUF):
        h = NCHUNK - NBUF + k
        store_wait(h, h % NBUF)


def kernel(input, weight):
    idx = input.astype(jnp.int32).reshape(NW, S_PER_W, HIST).transpose(0, 2, 1)
    out = _embed_lookup(weight, idx)
    return out.transpose(1, 0, 2)

# --- scband reference (transcript-rebuilt; emitter-appended) ---
"""Pipeline reference for scband-embed-32658931318991 (READ-ONLY COPY).

The authoritative reference and input builder live on the scoring server;
editing this copy changes nothing except your own understanding.
"""

import jax, jax.numpy as jnp
import numpy as np

NTOKEN = 100000
NINP = 128
BATCH = 4096
HIST = 50
PAD_IDX = 0


def setup_inputs(seed: int = 0) -> dict:
    key = jax.random.key(seed)
    k_idx, k_w = jax.random.split(key)
    input_ids = jax.random.randint(k_idx, (BATCH, HIST), 0, NTOKEN, dtype=jnp.int64 if jax.config.jax_enable_x64 else jnp.int32)
    weight = jax.random.normal(k_w, (NTOKEN, NINP), dtype=jnp.float32)
    # mimic Embed.__init__: zero out the <pad> row
    weight = weight.at[PAD_IDX].set(0.0)
    return {"input": input_ids, "weight": weight}


def reference(input, weight):
    # Faithful translation of nn.Embedding forward: row gather from the table.
    return jnp.take(weight, input, axis=0)


if False:  # reference __main__ guard neutralized (emitter)
    inp = setup_inputs()
    out = reference(**inp)
    print(out.shape, out.dtype)

if __name__ == "__main__":
    import jax
    _d = setup_inputs()
    print(jax.jit(kernel)(*tuple(_d.values())))

</pallas_src>

<mosaic_0001>
#map = affine_map<(d0, d1) -> (0, 0)>
#map1 = affine_map<(d0, d1) -> (0, 0, 0)>
module attributes {stable_mosaic.version = 14 : i64} {
  func.func @_embed_lookup(%arg0: i32, %arg1: i32, %arg2: memref<100000x128xf32, #tpu.memory_space<hbm>>, %arg3: memref<32x50x128xi32, #tpu.memory_space<hbm>>, %arg4: memref<50x4096x128xf32, #tpu.memory_space<hbm>>, %arg5: memref<50x128xi32, #tpu.memory_space<vmem>>, %arg6: memref<7x128x128xf32, #tpu.memory_space<vmem>>, %arg7: memref<7x!tpu.dma_semaphore, #tpu.memory_space<semaphore_mem>>, %arg8: memref<7x!tpu.dma_semaphore, #tpu.memory_space<semaphore_mem>>) attributes {dimension_semantics = [#tpu.dimension_semantics<core_parallel>, #tpu.dimension_semantics<subcore_parallel>], iteration_bounds = array<i64: 2, 16>, scalar_prefetch = 0 : i64, scratch_operands = 4 : i64, tpu.core_type = #tpu.core_type<sc_vector_subcore>, window_params = [{transform_indices = #map}, {transform_indices = #map1}, {transform_indices = #map1}]} {
    %mul3A = arith.constant 2 : i32
    %mul3A_0 = arith.muli %arg1, %mul3A : i32
    %add3A = arith.addi %mul3A_0, %arg0 : i32
    %mul3A_1 = arith.constant 128 : i32
    %mul3A_2 = arith.muli %add3A, %mul3A_1 : i32
    "tpu.region"() ({
      %run_scoped3A = tpu.sem_alloc : memref<!tpu.dma_semaphore, #tpu.memory_space<semaphore_mem>>
      %dma_start3A_245 = arith.constant 0 : i32
      %dma_start3A_246 = arith.constant 0 : i32
      %dma_start3A_247 = tpu.memref_slice %arg3[%add3A, %dma_start3A_245, %dma_start3A_246] : memref<32x50x128xi32, #tpu.memory_space<hbm>> -> memref<1x50x128xi32, #tpu.memory_space<hbm>>
      %dma_start3A_248 = tpu.memref_squeeze %dma_start3A_247 : memref<1x50x128xi32, #tpu.memory_space<hbm>> -> memref<50x128xi32, #tpu.memory_space<hbm>>
      %dma_start3A_249 = arith.constant 0 : i32
      %dma_start3A_250 = arith.constant 0 : i32
      %dma_start3A_251 = tpu.memref_slice %arg3[%add3A, %dma_start3A_249, %dma_start3A_250] : memref<32x50x128xi32, #tpu.memory_space<hbm>> -> memref<1x50x128xi32, #tpu.memory_space<hbm>>
      %dma_start3A_252 = tpu.memref_squeeze %dma_start3A_251 : memref<1x50x128xi32, #tpu.memory_space<hbm>> -> memref<50x128xi32, #tpu.memory_space<hbm>>
      tpu.enqueue_dma source(%dma_start3A_252 : memref<50x128xi32, #tpu.memory_space<hbm>>) target(%arg5 : memref<50x128xi32, #tpu.memory_space<vmem>>) target_semaphore(%run_scoped3A : memref<!tpu.dma_semaphore, #tpu.memory_space<semaphore_mem>>)
      %dma_wait3A_253 = arith.constant 0 : i32
      %dma_wait3A_254 = arith.constant 0 : i32
      %dma_wait3A_255 = tpu.memref_slice %arg3[%add3A, %dma_wait3A_253, %dma_wait3A_254] : memref<32x50x128xi32, #tpu.memory_space<hbm>> -> memref<1x50x128xi32, #tpu.memory_space<hbm>>
      %dma_wait3A_256 = tpu.memref_squeeze %dma_wait3A_255 : memref<1x50x128xi32, #tpu.memory_space<hbm>> -> memref<50x128xi32, #tpu.memory_space<hbm>>
      %dma_wait3A_257 = arith.constant 0 : i32
      %dma_wait3A_258 = arith.constant 0 : i32
      %dma_wait3A_259 = tpu.memref_slice %arg3[%add3A, %dma_wait3A_257, %dma_wait3A_258] : memref<32x50x128xi32, #tpu.memory_space<hbm>> -> memref<1x50x128xi32, #tpu.memory_space<hbm>>
      %dma_wait3A_260 = tpu.memref_squeeze %dma_wait3A_259 : memref<1x50x128xi32, #tpu.memory_space<hbm>> -> memref<50x128xi32, #tpu.memory_space<hbm>>
      tpu.wait_dma2 semaphore(%run_scoped3A : memref<!tpu.dma_semaphore, #tpu.memory_space<semaphore_mem>>) src(%dma_wait3A_260 : memref<50x128xi32, #tpu.memory_space<hbm>>) dst(%arg5 : memref<50x128xi32, #tpu.memory_space<vmem>>)
      tpu.yield
    }) : () -> ()
    %dma_start3A = arith.constant 0 : i32
    %dma_start3A_3 = arith.constant 0 : i32
    %dma_start3A_4 = arith.constant 0 : i32
    %dma_start3A_5 = arith.constant 0 : i32
    %dma_start3A_6 = arith.constant 0 : i32
    %dma_start3A_7 = tpu.memref_slice %arg6[%dma_start3A_3, %dma_start3A_5, %dma_start3A_6] : memref<7x128x128xf32, #tpu.memory_space<vmem>> -> memref<1x128x128xf32, #tpu.memory_space<vmem>>
    %dma_start3A_8 = tpu.memref_squeeze %dma_start3A_7 : memref<1x128x128xf32, #tpu.memory_space<vmem>> -> memref<128x128xf32, #tpu.memory_space<vmem>>
    %dma_start3A_9 = arith.constant 0 : i32
    %dma_start3A_10 = tpu.memref_slice %arg5[%dma_start3A, %dma_start3A_9] : memref<50x128xi32, #tpu.memory_space<vmem>> -> memref<1x128xi32, #tpu.memory_space<vmem>>
    %dma_start3A_11 = tpu.memref_squeeze %dma_start3A_10 : memref<1x128xi32, #tpu.memory_space<vmem>> -> memref<128xi32, #tpu.memory_space<vmem>>
    %dma_start3A_12 = arith.constant 0 : i32
    %dma_start3A_13 = arith.constant 0 : i32
    %dma_start3A_14 = tpu.memref_slice %arg2[%dma_start3A_12, %dma_start3A_13] : memref<100000x128xf32, #tpu.memory_space<hbm>> -> memref<100000x128xf32, #tpu.memory_space<hbm>>
    %dma_start3A_15 = tpu.memref_slice %arg7[%dma_start3A_4] : memref<7x!tpu.dma_semaphore, #tpu.memory_space<semaphore_mem>> -> memref<1x!tpu.dma_semaphore, #tpu.memory_space<semaphore_mem>>
    %dma_start3A_16 = tpu.memref_squeeze %dma_start3A_15 : memref<1x!tpu.dma_semaphore, #tpu.memory_space<semaphore_mem>> -> memref<!tpu.dma_semaphore, #tpu.memory_space<semaphore_mem>>
    tpu.enqueue_indirect_dma source(%dma_start3A_14 : memref<100000x128xf32, #tpu.memory_space<hbm>>) target(%dma_start3A_8 : memref<128x128xf32, #tpu.memory_space<vmem>>) offsets(%dma_start3A_11 : memref<128xi32, #tpu.memory_space<vmem>>) semaphore(%dma_start3A_16 : memref<!tpu.dma_semaphore, #tpu.memory_space<semaphore_mem>>)
    %dma_start3A_17 = arith.constant 1 : i32
    %dma_start3A_18 = arith.constant 1 : i32
    %dma_start3A_19 = arith.constant 1 : i32
    %dma_start3A_20 = arith.constant 0 : i32
    %dma_start3A_21 = arith.constant 0 : i32
    %dma_start3A_22 = tpu.memref_slice %arg6[%dma_start3A_18, %dma_start3A_20, %dma_start3A_21] : memref<7x128x128xf32, #tpu.memory_space<vmem>> -> memref<1x128x128xf32, #tpu.memory_space<vmem>>
    %dma_start3A_23 = tpu.memref_squeeze %dma_start3A_22 : memref<1x128x128xf32, #tpu.memory_space<vmem>> -> memref<128x128xf32, #tpu.memory_space<vmem>>
    %dma_start3A_24 = arith.constant 0 : i32
    %dma_start3A_25 = tpu.memref_slice %arg5[%dma_start3A_17, %dma_start3A_24] : memref<50x128xi32, #tpu.memory_space<vmem>> -> memref<1x128xi32, #tpu.memory_space<vmem>>
    %dma_start3A_26 = tpu.memref_squeeze %dma_start3A_25 : memref<1x128xi32, #tpu.memory_space<vmem>> -> memref<128xi32, #tpu.memory_space<vmem>>
    %dma_start3A_27 = arith.constant 0 : i32
    %dma_start3A_28 = arith.constant 0 : i32
    %dma_start3A_29 = tpu.memref_slice %arg2[%dma_start3A_27, %dma_start3A_28] : memref<100000x128xf32, #tpu.memory_space<hbm>> -> memref<100000x128xf32, #tpu.memory_space<hbm>>
    %dma_start3A_30 = tpu.memref_slice %arg7[%dma_start3A_19] : memref<7x!tpu.dma_semaphore, #tpu.memory_space<semaphore_mem>> -> memref<1x!tpu.dma_semaphore, #tpu.memory_space<semaphore_mem>>
    %dma_start3A_31 = tpu.memref_squeeze %dma_start3A_30 : memref<1x!tpu.dma_semaphore, #tpu.memory_space<semaphore_mem>> -> memref<!tpu.dma_semaphore, #tpu.memory_space<semaphore_mem>>
    tpu.enqueue_indirect_dma source(%dma_start3A_29 : memref<100000x128xf32, #tpu.memory_space<hbm>>) target(%dma_start3A_23 : memref<128x128xf32, #tpu.memory_space<vmem>>) offsets(%dma_start3A_26 : memref<128xi32, #tpu.memory_space<vmem>>) semaphore(%dma_start3A_31 : memref<!tpu.dma_semaphore, #tpu.memory_space<semaphore_mem>>)
    %dma_start3A_32 = arith.constant 2 : i32
    %dma_start3A_33 = arith.constant 2 : i32
    %dma_start3A_34 = arith.constant 2 : i32
    %dma_start3A_35 = arith.constant 0 : i32
    %dma_start3A_36 = arith.constant 0 : i32
    %dma_start3A_37 = tpu.memref_slice %arg6[%dma_start3A_33, %dma_start3A_35, %dma_start3A_36] : memref<7x128x128xf32, #tpu.memory_space<vmem>> -> memref<1x128x128xf32, #tpu.memory_space<vmem>>
    %dma_start3A_38 = tpu.memref_squeeze %dma_start3A_37 : memref<1x128x128xf32, #tpu.memory_space<vmem>> -> memref<128x128xf32, #tpu.memory_space<vmem>>
    %dma_start3A_39 = arith.constant 0 : i32
    %dma_start3A_40 = tpu.memref_slice %arg5[%dma_start3A_32, %dma_start3A_39] : memref<50x128xi32, #tpu.memory_space<vmem>> -> memref<1x128xi32, #tpu.memory_space<vmem>>
    %dma_start3A_41 = tpu.memref_squeeze %dma_start3A_40 : memref<1x128xi32, #tpu.memory_space<vmem>> -> memref<128xi32, #tpu.memory_space<vmem>>
    %dma_start3A_42 = arith.constant 0 : i32
    %dma_start3A_43 = arith.constant 0 : i32
    %dma_start3A_44 = tpu.memref_slice %arg2[%dma_start3A_42, %dma_start3A_43] : memref<100000x128xf32, #tpu.memory_space<hbm>> -> memref<100000x128xf32, #tpu.memory_space<hbm>>
    %dma_start3A_45 = tpu.memref_slice %arg7[%dma_start3A_34] : memref<7x!tpu.dma_semaphore, #tpu.memory_space<semaphore_mem>> -> memref<1x!tpu.dma_semaphore, #tpu.memory_space<semaphore_mem>>
    %dma_start3A_46 = tpu.memref_squeeze %dma_start3A_45 : memref<1x!tpu.dma_semaphore, #tpu.memory_space<semaphore_mem>> -> memref<!tpu.dma_semaphore, #tpu.memory_space<semaphore_mem>>
    tpu.enqueue_indirect_dma source(%dma_start3A_44 : memref<100000x128xf32, #tpu.memory_space<hbm>>) target(%dma_start3A_38 : memref<128x128xf32, #tpu.memory_space<vmem>>) offsets(%dma_start3A_41 : memref<128xi32, #tpu.memory_space<vmem>>) semaphore(%dma_start3A_46 : memref<!tpu.dma_semaphore, #tpu.memory_space<semaphore_mem>>)
    %dma_start3A_47 = arith.constant 3 : i32
    %dma_start3A_48 = arith.constant 3 : i32
    %dma_start3A_49 = arith.constant 3 : i32
    %dma_start3A_50 = arith.constant 0 : i32
    %dma_start3A_51 = arith.constant 0 : i32
    %dma_start3A_52 = tpu.memref_slice %arg6[%dma_start3A_48, %dma_start3A_50, %dma_start3A_51] : memref<7x128x128xf32, #tpu.memory_space<vmem>> -> memref<1x128x128xf32, #tpu.memory_space<vmem>>
    %dma_start3A_53 = tpu.memref_squeeze %dma_start3A_52 : memref<1x128x128xf32, #tpu.memory_space<vmem>> -> memref<128x128xf32, #tpu.memory_space<vmem>>
    %dma_start3A_54 = arith.constant 0 : i32
    %dma_start3A_55 = tpu.memref_slice %arg5[%dma_start3A_47, %dma_start3A_54] : memref<50x128xi32, #tpu.memory_space<vmem>> -> memref<1x128xi32, #tpu.memory_space<vmem>>
    %dma_start3A_56 = tpu.memref_squeeze %dma_start3A_55 : memref<1x128xi32, #tpu.memory_space<vmem>> -> memref<128xi32, #tpu.memory_space<vmem>>
    %dma_start3A_57 = arith.constant 0 : i32
    %dma_start3A_58 = arith.constant 0 : i32
    %dma_start3A_59 = tpu.memref_slice %arg2[%dma_start3A_57, %dma_start3A_58] : memref<100000x128xf32, #tpu.memory_space<hbm>> -> memref<100000x128xf32, #tpu.memory_space<hbm>>
    %dma_start3A_60 = tpu.memref_slice %arg7[%dma_start3A_49] : memref<7x!tpu.dma_semaphore, #tpu.memory_space<semaphore_mem>> -> memref<1x!tpu.dma_semaphore, #tpu.memory_space<semaphore_mem>>
    %dma_start3A_61 = tpu.memref_squeeze %dma_start3A_60 : memref<1x!tpu.dma_semaphore, #tpu.memory_space<semaphore_mem>> -> memref<!tpu.dma_semaphore, #tpu.memory_space<semaphore_mem>>
    tpu.enqueue_indirect_dma source(%dma_start3A_59 : memref<100000x128xf32, #tpu.memory_space<hbm>>) target(%dma_start3A_53 : memref<128x128xf32, #tpu.memory_space<vmem>>) offsets(%dma_start3A_56 : memref<128xi32, #tpu.memory_space<vmem>>) semaphore(%dma_start3A_61 : memref<!tpu.dma_semaphore, #tpu.memory_space<semaphore_mem>>)
    %dma_start3A_62 = arith.constant 4 : i32
    %dma_start3A_63 = arith.constant 4 : i32
    %dma_start3A_64 = arith.constant 4 : i32
    %dma_start3A_65 = arith.constant 0 : i32
    %dma_start3A_66 = arith.constant 0 : i32
    %dma_start3A_67 = tpu.memref_slice %arg6[%dma_start3A_63, %dma_start3A_65, %dma_start3A_66] : memref<7x128x128xf32, #tpu.memory_space<vmem>> -> memref<1x128x128xf32, #tpu.memory_space<vmem>>
    %dma_start3A_68 = tpu.memref_squeeze %dma_start3A_67 : memref<1x128x128xf32, #tpu.memory_space<vmem>> -> memref<128x128xf32, #tpu.memory_space<vmem>>
    %dma_start3A_69 = arith.constant 0 : i32
    %dma_start3A_70 = tpu.memref_slice %arg5[%dma_start3A_62, %dma_start3A_69] : memref<50x128xi32, #tpu.memory_space<vmem>> -> memref<1x128xi32, #tpu.memory_space<vmem>>
    %dma_start3A_71 = tpu.memref_squeeze %dma_start3A_70 : memref<1x128xi32, #tpu.memory_space<vmem>> -> memref<128xi32, #tpu.memory_space<vmem>>
    %dma_start3A_72 = arith.constant 0 : i32
    %dma_start3A_73 = arith.constant 0 : i32
    %dma_start3A_74 = tpu.memref_slice %arg2[%dma_start3A_72, %dma_start3A_73] : memref<100000x128xf32, #tpu.memory_space<hbm>> -> memref<100000x128xf32, #tpu.memory_space<hbm>>
    %dma_start3A_75 = tpu.memref_slice %arg7[%dma_start3A_64] : memref<7x!tpu.dma_semaphore, #tpu.memory_space<semaphore_mem>> -> memref<1x!tpu.dma_semaphore, #tpu.memory_space<semaphore_mem>>
    %dma_start3A_76 = tpu.memref_squeeze %dma_start3A_75 : memref<1x!tpu.dma_semaphore, #tpu.memory_space<semaphore_mem>> -> memref<!tpu.dma_semaphore, #tpu.memory_space<semaphore_mem>>
    tpu.enqueue_indirect_dma source(%dma_start3A_74 : memref<100000x128xf32, #tpu.memory_space<hbm>>) target(%dma_start3A_68 : memref<128x128xf32, #tpu.memory_space<vmem>>) offsets(%dma_start3A_71 : memref<128xi32, #tpu.memory_space<vmem>>) semaphore(%dma_start3A_76 : memref<!tpu.dma_semaphore, #tpu.memory_space<semaphore_mem>>)
    %dma_start3A_77 = arith.constant 5 : i32
    %dma_start3A_78 = arith.constant 5 : i32
    %dma_start3A_79 = arith.constant 5 : i32
    %dma_start3A_80 = arith.constant 0 : i32
    %dma_start3A_81 = arith.constant 0 : i32
    %dma_start3A_82 = tpu.memref_slice %arg6[%dma_start3A_78, %dma_start3A_80, %dma_start3A_81] : memref<7x128x128xf32, #tpu.memory_space<vmem>> -> memref<1x128x128xf32, #tpu.memory_space<vmem>>
    %dma_start3A_83 = tpu.memref_squeeze %dma_start3A_82 : memref<1x128x128xf32, #tpu.memory_space<vmem>> -> memref<128x128xf32, #tpu.memory_space<vmem>>
    %dma_start3A_84 = arith.constant 0 : i32
    %dma_start3A_85 = tpu.memref_slice %arg5[%dma_start3A_77, %dma_start3A_84] : memref<50x128xi32, #tpu.memory_space<vmem>> -> memref<1x128xi32, #tpu.memory_space<vmem>>
    %dma_start3A_86 = tpu.memref_squeeze %dma_start3A_85 : memref<1x128xi32, #tpu.memory_space<vmem>> -> memref<128xi32, #tpu.memory_space<vmem>>
    %dma_start3A_87 = arith.constant 0 : i32
    %dma_start3A_88 = arith.constant 0 : i32
    %dma_start3A_89 = tpu.memref_slice %arg2[%dma_start3A_87, %dma_start3A_88] : memref<100000x128xf32, #tpu.memory_space<hbm>> -> memref<100000x128xf32, #tpu.memory_space<hbm>>
    %dma_start3A_90 = tpu.memref_slice %arg7[%dma_start3A_79] : memref<7x!tpu.dma_semaphore, #tpu.memory_space<semaphore_mem>> -> memref<1x!tpu.dma_semaphore, #tpu.memory_space<semaphore_mem>>
    %dma_start3A_91 = tpu.memref_squeeze %dma_start3A_90 : memref<1x!tpu.dma_semaphore, #tpu.memory_space<semaphore_mem>> -> memref<!tpu.dma_semaphore, #tpu.memory_space<semaphore_mem>>
    tpu.enqueue_indirect_dma source(%dma_start3A_89 : memref<100000x128xf32, #tpu.memory_space<hbm>>) target(%dma_start3A_83 : memref<128x128xf32, #tpu.memory_space<vmem>>) offsets(%dma_start3A_86 : memref<128xi32, #tpu.memory_space<vmem>>) semaphore(%dma_start3A_91 : memref<!tpu.dma_semaphore, #tpu.memory_space<semaphore_mem>>)
    %dma_start3A_92 = arith.constant 6 : i32
    %dma_start3A_93 = arith.constant 6 : i32
    %dma_start3A_94 = arith.constant 6 : i32
    %dma_start3A_95 = arith.constant 0 : i32
    %dma_start3A_96 = arith.constant 0 : i32
    %dma_start3A_97 = tpu.memref_slice %arg6[%dma_start3A_93, %dma_start3A_95, %dma_start3A_96] : memref<7x128x128xf32, #tpu.memory_space<vmem>> -> memref<1x128x128xf32, #tpu.memory_space<vmem>>
    %dma_start3A_98 = tpu.memref_squeeze %dma_start3A_97 : memref<1x128x128xf32, #tpu.memory_space<vmem>> -> memref<128x128xf32, #tpu.memory_space<vmem>>
    %dma_start3A_99 = arith.constant 0 : i32
    %dma_start3A_100 = tpu.memref_slice %arg5[%dma_start3A_92, %dma_start3A_99] : memref<50x128xi32, #tpu.memory_space<vmem>> -> memref<1x128xi32, #tpu.memory_space<vmem>>
    %dma_start3A_101 = tpu.memref_squeeze %dma_start3A_100 : memref<1x128xi32, #tpu.memory_space<vmem>> -> memref<128xi32, #tpu.memory_space<vmem>>
    %dma_start3A_102 = arith.constant 0 : i32
    %dma_start3A_103 = arith.constant 0 : i32
    %dma_start3A_104 = tpu.memref_slice %arg2[%dma_start3A_102, %dma_start3A_103] : memref<100000x128xf32, #tpu.memory_space<hbm>> -> memref<100000x128xf32, #tpu.memory_space<hbm>>
    %dma_start3A_105 = tpu.memref_slice %arg7[%dma_start3A_94] : memref<7x!tpu.dma_semaphore, #tpu.memory_space<semaphore_mem>> -> memref<1x!tpu.dma_semaphore, #tpu.memory_space<semaphore_mem>>
    %dma_start3A_106 = tpu.memref_squeeze %dma_start3A_105 : memref<1x!tpu.dma_semaphore, #tpu.memory_space<semaphore_mem>> -> memref<!tpu.dma_semaphore, #tpu.memory_space<semaphore_mem>>
    tpu.enqueue_indirect_dma source(%dma_start3A_104 : memref<100000x128xf32, #tpu.memory_space<hbm>>) target(%dma_start3A_98 : memref<128x128xf32, #tpu.memory_space<vmem>>) offsets(%dma_start3A_101 : memref<128xi32, #tpu.memory_space<vmem>>) semaphore(%dma_start3A_106 : memref<!tpu.dma_semaphore, #tpu.memory_space<semaphore_mem>>)
    %scan3A = arith.constant 0 : i32
    %scan3A_107 = arith.constant 0 : i32
    %scan3A_108 = arith.constant 50 : i32
    %scan3A_109 = arith.addi %scan3A_107, %scan3A_108 : i32
    %scan3A_110 = arith.constant 1 : i32
    %scan3A_111 = scf.for %scan3A_245 = %scan3A_107 to %scan3A_109 step %scan3A_110 iter_args(%scan3A_246 = %scan3A) -> (i32)  : i32 {
      %rem3A = arith.constant 7 : i32
      %rem3A_247 = arith.remsi %scan3A_245, %rem3A : i32
      %dma_wait3A_248 = arith.constant 0 : i32
      %dma_wait3A_249 = arith.constant 0 : i32
      %dma_wait3A_250 = tpu.memref_slice %arg6[%rem3A_247, %dma_wait3A_248, %dma_wait3A_249] : memref<7x128x128xf32, #tpu.memory_space<vmem>> -> memref<1x128x128xf32, #tpu.memory_space<vmem>>
      %dma_wait3A_251 = tpu.memref_squeeze %dma_wait3A_250 : memref<1x128x128xf32, #tpu.memory_space<vmem>> -> memref<128x128xf32, #tpu.memory_space<vmem>>
      %dma_wait3A_252 = arith.constant 0 : i32
      %dma_wait3A_253 = tpu.memref_slice %arg5[%scan3A_245, %dma_wait3A_252] : memref<50x128xi32, #tpu.memory_space<vmem>> -> memref<1x128xi32, #tpu.memory_space<vmem>>
      %dma_wait3A_254 = tpu.memref_squeeze %dma_wait3A_253 : memref<1x128xi32, #tpu.memory_space<vmem>> -> memref<128xi32, #tpu.memory_space<vmem>>
      %dma_wait3A_255 = arith.constant 0 : i32
      %dma_wait3A_256 = arith.constant 0 : i32
      %dma_wait3A_257 = tpu.memref_slice %arg2[%dma_wait3A_255, %dma_wait3A_256] : memref<100000x128xf32, #tpu.memory_space<hbm>> -> memref<100000x128xf32, #tpu.memory_space<hbm>>
      %dma_wait3A_258 = tpu.memref_slice %arg7[%rem3A_247] : memref<7x!tpu.dma_semaphore, #tpu.memory_space<semaphore_mem>> -> memref<1x!tpu.dma_semaphore, #tpu.memory_space<semaphore_mem>>
      %dma_wait3A_259 = tpu.memref_squeeze %dma_wait3A_258 : memref<1x!tpu.dma_semaphore, #tpu.memory_space<semaphore_mem>> -> memref<!tpu.dma_semaphore, #tpu.memory_space<semaphore_mem>>
      tpu.wait_indirect_dma semaphore(%dma_wait3A_259 : memref<!tpu.dma_semaphore, #tpu.memory_space<semaphore_mem>>) src(%dma_wait3A_257 : memref<100000x128xf32, #tpu.memory_space<hbm>>) dst(%dma_wait3A_251 : memref<128x128xf32, #tpu.memory_space<vmem>>)
      %dma_start3A_260 = arith.constant 0 : i32
      %dma_start3A_261 = arith.constant 0 : i32
      %dma_start3A_262 = tpu.memref_slice %arg6[%rem3A_247, %dma_start3A_260, %dma_start3A_261] : memref<7x128x128xf32, #tpu.memory_space<vmem>> -> memref<1x128x128xf32, #tpu.memory_space<vmem>>
      %dma_start3A_263 = tpu.memref_squeeze %dma_start3A_262 : memref<1x128x128xf32, #tpu.memory_space<vmem>> -> memref<128x128xf32, #tpu.memory_space<vmem>>
      %dma_start3A_264 = arith.constant 0 : i32
      %dma_start3A_265 = tpu.memref_slice %arg4[%scan3A_245, %mul3A_2, %dma_start3A_264] : memref<50x4096x128xf32, #tpu.memory_space<hbm>> -> memref<1x128x128xf32, #tpu.memory_space<hbm>>
      %dma_start3A_266 = tpu.memref_squeeze %dma_start3A_265 : memref<1x128x128xf32, #tpu.memory_space<hbm>> -> memref<128x128xf32, #tpu.memory_space<hbm>>
      %dma_start3A_267 = tpu.memref_slice %arg8[%rem3A_247] : memref<7x!tpu.dma_semaphore, #tpu.memory_space<semaphore_mem>> -> memref<1x!tpu.dma_semaphore, #tpu.memory_space<semaphore_mem>>
      %dma_start3A_268 = tpu.memref_squeeze %dma_start3A_267 : memref<1x!tpu.dma_semaphore, #tpu.memory_space<semaphore_mem>> -> memref<!tpu.dma_semaphore, #tpu.memory_space<semaphore_mem>>
      %dma_start3A_269 = arith.constant 0 : i32
      %dma_start3A_270 = tpu.memref_slice %arg4[%scan3A_245, %mul3A_2, %dma_start3A_269] : memref<50x4096x128xf32, #tpu.memory_space<hbm>> -> memref<1x128x128xf32, #tpu.memory_space<hbm>>
      %dma_start3A_271 = tpu.memref_squeeze %dma_start3A_270 : memref<1x128x128xf32, #tpu.memory_space<hbm>> -> memref<128x128xf32, #tpu.memory_space<hbm>>
      %dma_start3A_272 = arith.constant 0 : i32
      %dma_start3A_273 = arith.constant 0 : i32
      %dma_start3A_274 = tpu.memref_slice %arg6[%rem3A_247, %dma_start3A_272, %dma_start3A_273] : memref<7x128x128xf32, #tpu.memory_space<vmem>> -> memref<1x128x128xf32, #tpu.memory_space<vmem>>
      %dma_start3A_275 = tpu.memref_squeeze %dma_start3A_274 : memref<1x128x128xf32, #tpu.memory_space<vmem>> -> memref<128x128xf32, #tpu.memory_space<vmem>>
      tpu.enqueue_dma source(%dma_start3A_275 : memref<128x128xf32, #tpu.memory_space<vmem>>) target(%dma_start3A_271 : memref<128x128xf32, #tpu.memory_space<hbm>>) target_semaphore(%dma_start3A_268 : memref<!tpu.dma_semaphore, #tpu.memory_space<semaphore_mem>>)
      %ge3A = arith.constant 1 : i32
      %ge3A_276 = arith.cmpi sge, %scan3A_245, %ge3A : i32
      %add3A_277 = arith.constant 7 : i32
      %add3A_278 = arith.addi %scan3A_245, %add3A_277 : i32
      %sub3A = arith.constant 1 : i32
      %sub3A_279 = arith.subi %add3A_278, %sub3A : i32
      %lt3A = arith.constant 50 : i32
      %lt3A_280 = arith.cmpi slt, %sub3A_279, %lt3A : i32
      %and3A = arith.andi %ge3A_276, %lt3A_280 : i1
      %convert_element_type3A = arith.extui %and3A : i1 to i32
      %cond3A = arith.constant 0 : i32
      %cond3A_281 = arith.cmpi ne, %convert_element_type3A, %cond3A : i32
      scf.if %cond3A_281 {
        %add3A_283 = arith.constant 7 : i32
        %add3A_284 = arith.addi %scan3A_245, %add3A_283 : i32
        %sub3A_285 = arith.constant 1 : i32
        %sub3A_286 = arith.subi %add3A_284, %sub3A_285 : i32
        %rem3A_287 = arith.constant 7 : i32
        %rem3A_288 = arith.remsi %sub3A_286, %rem3A_287 : i32
        %sub3A_289 = arith.constant 1 : i32
        %sub3A_290 = arith.subi %scan3A_245, %sub3A_289 : i32
        %dma_wait3A_291 = arith.constant 0 : i32
        %dma_wait3A_292 = arith.constant 0 : i32
        %dma_wait3A_293 = tpu.memref_slice %arg6[%rem3A_288, %dma_wait3A_291, %dma_wait3A_292] : memref<7x128x128xf32, #tpu.memory_space<vmem>> -> memref<1x128x128xf32, #tpu.memory_space<vmem>>
        %dma_wait3A_294 = tpu.memref_squeeze %dma_wait3A_293 : memref<1x128x128xf32, #tpu.memory_space<vmem>> -> memref<128x128xf32, #tpu.memory_space<vmem>>
        %dma_wait3A_295 = arith.constant 0 : i32
        %dma_wait3A_296 = tpu.memref_slice %arg4[%sub3A_290, %mul3A_2, %dma_wait3A_295] : memref<50x4096x128xf32, #tpu.memory_space<hbm>> -> memref<1x128x128xf32, #tpu.memory_space<hbm>>
        %dma_wait3A_297 = tpu.memref_squeeze %dma_wait3A_296 : memref<1x128x128xf32, #tpu.memory_space<hbm>> -> memref<128x128xf32, #tpu.memory_space<hbm>>
        %dma_wait3A_298 = tpu.memref_slice %arg8[%rem3A_288] : memref<7x!tpu.dma_semaphore, #tpu.memory_space<semaphore_mem>> -> memref<1x!tpu.dma_semaphore, #tpu.memory_space<semaphore_mem>>
        %dma_wait3A_299 = tpu.memref_squeeze %dma_wait3A_298 : memref<1x!tpu.dma_semaphore, #tpu.memory_space<semaphore_mem>> -> memref<!tpu.dma_semaphore, #tpu.memory_space<semaphore_mem>>
        %dma_wait3A_300 = arith.constant 0 : i32
        %dma_wait3A_301 = tpu.memref_slice %arg4[%sub3A_290, %mul3A_2, %dma_wait3A_300] : memref<50x4096x128xf32, #tpu.memory_space<hbm>> -> memref<1x128x128xf32, #tpu.memory_space<hbm>>
        %dma_wait3A_302 = tpu.memref_squeeze %dma_wait3A_301 : memref<1x128x128xf32, #tpu.memory_space<hbm>> -> memref<128x128xf32, #tpu.memory_space<hbm>>
        %dma_wait3A_303 = arith.constant 0 : i32
        %dma_wait3A_304 = arith.constant 0 : i32
        %dma_wait3A_305 = tpu.memref_slice %arg6[%rem3A_288, %dma_wait3A_303, %dma_wait3A_304] : memref<7x128x128xf32, #tpu.memory_space<vmem>> -> memref<1x128x128xf32, #tpu.memory_space<vmem>>
        %dma_wait3A_306 = tpu.memref_squeeze %dma_wait3A_305 : memref<1x128x128xf32, #tpu.memory_space<vmem>> -> memref<128x128xf32, #tpu.memory_space<vmem>>
        tpu.wait_dma2 semaphore(%dma_wait3A_299 : memref<!tpu.dma_semaphore, #tpu.memory_space<semaphore_mem>>) src(%dma_wait3A_306 : memref<128x128xf32, #tpu.memory_space<vmem>>) dst(%dma_wait3A_302 : memref<128x128xf32, #tpu.memory_space<hbm>>)
        %add3A_307 = arith.constant 7 : i32
        %add3A_308 = arith.addi %scan3A_245, %add3A_307 : i32
        %sub3A_309 = arith.constant 1 : i32
        %sub3A_310 = arith.subi %add3A_308, %sub3A_309 : i32
        %dma_start3A_311 = arith.constant 0 : i32
        %dma_start3A_312 = arith.constant 0 : i32
        %dma_start3A_313 = tpu.memref_slice %arg6[%rem3A_288, %dma_start3A_311, %dma_start3A_312] : memref<7x128x128xf32, #tpu.memory_space<vmem>> -> memref<1x128x128xf32, #tpu.memory_space<vmem>>
        %dma_start3A_314 = tpu.memref_squeeze %dma_start3A_313 : memref<1x128x128xf32, #tpu.memory_space<vmem>> -> memref<128x128xf32, #tpu.memory_space<vmem>>
        %dma_start3A_315 = arith.constant 0 : i32
        %dma_start3A_316 = tpu.memref_slice %arg5[%sub3A_310, %dma_start3A_315] : memref<50x128xi32, #tpu.memory_space<vmem>> -> memref<1x128xi32, #tpu.memory_space<vmem>>
        %dma_start3A_317 = tpu.memref_squeeze %dma_start3A_316 : memref<1x128xi32, #tpu.memory_space<vmem>> -> memref<128xi32, #tpu.memory_space<vmem>>
        %dma_start3A_318 = arith.constant 0 : i32
        %dma_start3A_319 = arith.constant 0 : i32
        %dma_start3A_320 = tpu.memref_slice %arg2[%dma_start3A_318, %dma_start3A_319] : memref<100000x128xf32, #tpu.memory_space<hbm>> -> memref<100000x128xf32, #tpu.memory_space<hbm>>
        %dma_start3A_321 = tpu.memref_slice %arg7[%rem3A_288] : memref<7x!tpu.dma_semaphore, #tpu.memory_space<semaphore_mem>> -> memref<1x!tpu.dma_semaphore, #tpu.memory_space<semaphore_mem>>
        %dma_start3A_322 = tpu.memref_squeeze %dma_start3A_321 : memref<1x!tpu.dma_semaphore, #tpu.memory_space<semaphore_mem>> -> memref<!tpu.dma_semaphore, #tpu.memory_space<semaphore_mem>>
        tpu.enqueue_indirect_dma source(%dma_start3A_320 : memref<100000x128xf32, #tpu.memory_space<hbm>>) target(%dma_start3A_314 : memref<128x128xf32, #tpu.memory_space<vmem>>) offsets(%dma_start3A_317 : memref<128xi32, #tpu.memory_space<vmem>>) semaphore(%dma_start3A_322 : memref<!tpu.dma_semaphore, #tpu.memory_space<semaphore_mem>>)
      } else {
      }
      %scan3A_282 = arith.constant 0 : i32
      scf.yield %scan3A_282 : i32
    }
    %scan3A_112 = arith.constant 50 : i32
    %dma_wait3A = arith.constant 1 : i32
    %dma_wait3A_113 = arith.constant 43 : i32
    %dma_wait3A_114 = arith.constant 1 : i32
    %dma_wait3A_115 = arith.constant 0 : i32
    %dma_wait3A_116 = arith.constant 0 : i32
    %dma_wait3A_117 = tpu.memref_slice %arg6[%dma_wait3A, %dma_wait3A_115, %dma_wait3A_116] : memref<7x128x128xf32, #tpu.memory_space<vmem>> -> memref<1x128x128xf32, #tpu.memory_space<vmem>>
    %dma_wait3A_118 = tpu.memref_squeeze %dma_wait3A_117 : memref<1x128x128xf32, #tpu.memory_space<vmem>> -> memref<128x128xf32, #tpu.memory_space<vmem>>
    %dma_wait3A_119 = arith.constant 0 : i32
    %dma_wait3A_120 = tpu.memref_slice %arg4[%dma_wait3A_113, %mul3A_2, %dma_wait3A_119] : memref<50x4096x128xf32, #tpu.memory_space<hbm>> -> memref<1x128x128xf32, #tpu.memory_space<hbm>>
    %dma_wait3A_121 = tpu.memref_squeeze %dma_wait3A_120 : memref<1x128x128xf32, #tpu.memory_space<hbm>> -> memref<128x128xf32, #tpu.memory_space<hbm>>
    %dma_wait3A_122 = tpu.memref_slice %arg8[%dma_wait3A_114] : memref<7x!tpu.dma_semaphore, #tpu.memory_space<semaphore_mem>> -> memref<1x!tpu.dma_semaphore, #tpu.memory_space<semaphore_mem>>
    %dma_wait3A_123 = tpu.memref_squeeze %dma_wait3A_122 : memref<1x!tpu.dma_semaphore, #tpu.memory_space<semaphore_mem>> -> memref<!tpu.dma_semaphore, #tpu.memory_space<semaphore_mem>>
    %dma_wait3A_124 = arith.constant 0 : i32
    %dma_wait3A_125 = tpu.memref_slice %arg4[%dma_wait3A_113, %mul3A_2, %dma_wait3A_124] : memref<50x4096x128xf32, #tpu.memory_space<hbm>> -> memref<1x128x128xf32, #tpu.memory_space<hbm>>
    %dma_wait3A_126 = tpu.memref_squeeze %dma_wait3A_125 : memref<1x128x128xf32, #tpu.memory_space<hbm>> -> memref<128x128xf32, #tpu.memory_space<hbm>>
    %dma_wait3A_127 = arith.constant 0 : i32
    %dma_wait3A_128 = arith.constant 0 : i32
    %dma_wait3A_129 = tpu.memref_slice %arg6[%dma_wait3A, %dma_wait3A_127, %dma_wait3A_128] : memref<7x128x128xf32, #tpu.memory_space<vmem>> -> memref<1x128x128xf32, #tpu.memory_space<vmem>>
    %dma_wait3A_130 = tpu.memref_squeeze %dma_wait3A_129 : memref<1x128x128xf32, #tpu.memory_space<vmem>> -> memref<128x128xf32, #tpu.memory_space<vmem>>
    tpu.wait_dma2 semaphore(%dma_wait3A_123 : memref<!tpu.dma_semaphore, #tpu.memory_space<semaphore_mem>>) src(%dma_wait3A_130 : memref<128x128xf32, #tpu.memory_space<vmem>>) dst(%dma_wait3A_126 : memref<128x128xf32, #tpu.memory_space<hbm>>)
    %dma_wait3A_131 = arith.constant 2 : i32
    %dma_wait3A_132 = arith.constant 44 : i32
    %dma_wait3A_133 = arith.constant 2 : i32
    %dma_wait3A_134 = arith.constant 0 : i32
    %dma_wait3A_135 = arith.constant 0 : i32
    %dma_wait3A_136 = tpu.memref_slice %arg6[%dma_wait3A_131, %dma_wait3A_134, %dma_wait3A_135] : memref<7x128x128xf32, #tpu.memory_space<vmem>> -> memref<1x128x128xf32, #tpu.memory_space<vmem>>
    %dma_wait3A_137 = tpu.memref_squeeze %dma_wait3A_136 : memref<1x128x128xf32, #tpu.memory_space<vmem>> -> memref<128x128xf32, #tpu.memory_space<vmem>>
    %dma_wait3A_138 = arith.constant 0 : i32
    %dma_wait3A_139 = tpu.memref_slice %arg4[%dma_wait3A_132, %mul3A_2, %dma_wait3A_138] : memref<50x4096x128xf32, #tpu.memory_space<hbm>> -> memref<1x128x128xf32, #tpu.memory_space<hbm>>
    %dma_wait3A_140 = tpu.memref_squeeze %dma_wait3A_139 : memref<1x128x128xf32, #tpu.memory_space<hbm>> -> memref<128x128xf32, #tpu.memory_space<hbm>>
    %dma_wait3A_141 = tpu.memref_slice %arg8[%dma_wait3A_133] : memref<7x!tpu.dma_semaphore, #tpu.memory_space<semaphore_mem>> -> memref<1x!tpu.dma_semaphore, #tpu.memory_space<semaphore_mem>>
    %dma_wait3A_142 = tpu.memref_squeeze %dma_wait3A_141 : memref<1x!tpu.dma_semaphore, #tpu.memory_space<semaphore_mem>> -> memref<!tpu.dma_semaphore, #tpu.memory_space<semaphore_mem>>
    %dma_wait3A_143 = arith.constant 0 : i32
    %dma_wait3A_144 = tpu.memref_slice %arg4[%dma_wait3A_132, %mul3A_2, %dma_wait3A_143] : memref<50x4096x128xf32, #tpu.memory_space<hbm>> -> memref<1x128x128xf32, #tpu.memory_space<hbm>>
    %dma_wait3A_145 = tpu.memref_squeeze %dma_wait3A_144 : memref<1x128x128xf32, #tpu.memory_space<hbm>> -> memref<128x128xf32, #tpu.memory_space<hbm>>
    %dma_wait3A_146 = arith.constant 0 : i32
    %dma_wait3A_147 = arith.constant 0 : i32
    %dma_wait3A_148 = tpu.memref_slice %arg6[%dma_wait3A_131, %dma_wait3A_146, %dma_wait3A_147] : memref<7x128x128xf32, #tpu.memory_space<vmem>> -> memref<1x128x128xf32, #tpu.memory_space<vmem>>
    %dma_wait3A_149 = tpu.memref_squeeze %dma_wait3A_148 : memref<1x128x128xf32, #tpu.memory_space<vmem>> -> memref<128x128xf32, #tpu.memory_space<vmem>>
    tpu.wait_dma2 semaphore(%dma_wait3A_142 : memref<!tpu.dma_semaphore, #tpu.memory_space<semaphore_mem>>) src(%dma_wait3A_149 : memref<128x128xf32, #tpu.memory_space<vmem>>) dst(%dma_wait3A_145 : memref<128x128xf32, #tpu.memory_space<hbm>>)
    %dma_wait3A_150 = arith.constant 3 : i32
    %dma_wait3A_151 = arith.constant 45 : i32
    %dma_wait3A_152 = arith.constant 3 : i32
    %dma_wait3A_153 = arith.constant 0 : i32
    %dma_wait3A_154 = arith.constant 0 : i32
    %dma_wait3A_155 = tpu.memref_slice %arg6[%dma_wait3A_150, %dma_wait3A_153, %dma_wait3A_154] : memref<7x128x128xf32, #tpu.memory_space<vmem>> -> memref<1x128x128xf32, #tpu.memory_space<vmem>>
    %dma_wait3A_156 = tpu.memref_squeeze %dma_wait3A_155 : memref<1x128x128xf32, #tpu.memory_space<vmem>> -> memref<128x128xf32, #tpu.memory_space<vmem>>
    %dma_wait3A_157 = arith.constant 0 : i32
    %dma_wait3A_158 = tpu.memref_slice %arg4[%dma_wait3A_151, %mul3A_2, %dma_wait3A_157] : memref<50x4096x128xf32, #tpu.memory_space<hbm>> -> memref<1x128x128xf32, #tpu.memory_space<hbm>>
    %dma_wait3A_159 = tpu.memref_squeeze %dma_wait3A_158 : memref<1x128x128xf32, #tpu.memory_space<hbm>> -> memref<128x128xf32, #tpu.memory_space<hbm>>
    %dma_wait3A_160 = tpu.memref_slice %arg8[%dma_wait3A_152] : memref<7x!tpu.dma_semaphore, #tpu.memory_space<semaphore_mem>> -> memref<1x!tpu.dma_semaphore, #tpu.memory_space<semaphore_mem>>
    %dma_wait3A_161 = tpu.memref_squeeze %dma_wait3A_160 : memref<1x!tpu.dma_semaphore, #tpu.memory_space<semaphore_mem>> -> memref<!tpu.dma_semaphore, #tpu.memory_space<semaphore_mem>>
    %dma_wait3A_162 = arith.constant 0 : i32
    %dma_wait3A_163 = tpu.memref_slice %arg4[%dma_wait3A_151, %mul3A_2, %dma_wait3A_162] : memref<50x4096x128xf32, #tpu.memory_space<hbm>> -> memref<1x128x128xf32, #tpu.memory_space<hbm>>
    %dma_wait3A_164 = tpu.memref_squeeze %dma_wait3A_163 : memref<1x128x128xf32, #tpu.memory_space<hbm>> -> memref<128x128xf32, #tpu.memory_space<hbm>>
    %dma_wait3A_165 = arith.constant 0 : i32
    %dma_wait3A_166 = arith.constant 0 : i32
    %dma_wait3A_167 = tpu.memref_slice %arg6[%dma_wait3A_150, %dma_wait3A_165, %dma_wait3A_166] : memref<7x128x128xf32, #tpu.memory_space<vmem>> -> memref<1x128x128xf32, #tpu.memory_space<vmem>>
    %dma_wait3A_168 = tpu.memref_squeeze %dma_wait3A_167 : memref<1x128x128xf32, #tpu.memory_space<vmem>> -> memref<128x128xf32, #tpu.memory_space<vmem>>
    tpu.wait_dma2 semaphore(%dma_wait3A_161 : memref<!tpu.dma_semaphore, #tpu.memory_space<semaphore_mem>>) src(%dma_wait3A_168 : memref<128x128xf32, #tpu.memory_space<vmem>>) dst(%dma_wait3A_164 : memref<128x128xf32, #tpu.memory_space<hbm>>)
    %dma_wait3A_169 = arith.constant 4 : i32
    %dma_wait3A_170 = arith.constant 46 : i32
    %dma_wait3A_171 = arith.constant 4 : i32
    %dma_wait3A_172 = arith.constant 0 : i32
    %dma_wait3A_173 = arith.constant 0 : i32
    %dma_wait3A_174 = tpu.memref_slice %arg6[%dma_wait3A_169, %dma_wait3A_172, %dma_wait3A_173] : memref<7x128x128xf32, #tpu.memory_space<vmem>> -> memref<1x128x128xf32, #tpu.memory_space<vmem>>
    %dma_wait3A_175 = tpu.memref_squeeze %dma_wait3A_174 : memref<1x128x128xf32, #tpu.memory_space<vmem>> -> memref<128x128xf32, #tpu.memory_space<vmem>>
    %dma_wait3A_176 = arith.constant 0 : i32
    %dma_wait3A_177 = tpu.memref_slice %arg4[%dma_wait3A_170, %mul3A_2, %dma_wait3A_176] : memref<50x4096x128xf32, #tpu.memory_space<hbm>> -> memref<1x128x128xf32, #tpu.memory_space<hbm>>
    %dma_wait3A_178 = tpu.memref_squeeze %dma_wait3A_177 : memref<1x128x128xf32, #tpu.memory_space<hbm>> -> memref<128x128xf32, #tpu.memory_space<hbm>>
    %dma_wait3A_179 = tpu.memref_slice %arg8[%dma_wait3A_171] : memref<7x!tpu.dma_semaphore, #tpu.memory_space<semaphore_mem>> -> memref<1x!tpu.dma_semaphore, #tpu.memory_space<semaphore_mem>>
    %dma_wait3A_180 = tpu.memref_squeeze %dma_wait3A_179 : memref<1x!tpu.dma_semaphore, #tpu.memory_space<semaphore_mem>> -> memref<!tpu.dma_semaphore, #tpu.memory_space<semaphore_mem>>
    %dma_wait3A_181 = arith.constant 0 : i32
    %dma_wait3A_182 = tpu.memref_slice %arg4[%dma_wait3A_170, %mul3A_2, %dma_wait3A_181] : memref<50x4096x128xf32, #tpu.memory_space<hbm>> -> memref<1x128x128xf32, #tpu.memory_space<hbm>>
    %dma_wait3A_183 = tpu.memref_squeeze %dma_wait3A_182 : memref<1x128x128xf32, #tpu.memory_space<hbm>> -> memref<128x128xf32, #tpu.memory_space<hbm>>
    %dma_wait3A_184 = arith.constant 0 : i32
    %dma_wait3A_185 = arith.constant 0 : i32
    %dma_wait3A_186 = tpu.memref_slice %arg6[%dma_wait3A_169, %dma_wait3A_184, %dma_wait3A_185] : memref<7x128x128xf32, #tpu.memory_space<vmem>> -> memref<1x128x128xf32, #tpu.memory_space<vmem>>
    %dma_wait3A_187 = tpu.memref_squeeze %dma_wait3A_186 : memref<1x128x128xf32, #tpu.memory_space<vmem>> -> memref<128x128xf32, #tpu.memory_space<vmem>>
    tpu.wait_dma2 semaphore(%dma_wait3A_180 : memref<!tpu.dma_semaphore, #tpu.memory_space<semaphore_mem>>) src(%dma_wait3A_187 : memref<128x128xf32, #tpu.memory_space<vmem>>) dst(%dma_wait3A_183 : memref<128x128xf32, #tpu.memory_space<hbm>>)
    %dma_wait3A_188 = arith.constant 5 : i32
    %dma_wait3A_189 = arith.constant 47 : i32
    %dma_wait3A_190 = arith.constant 5 : i32
    %dma_wait3A_191 = arith.constant 0 : i32
    %dma_wait3A_192 = arith.constant 0 : i32
    %dma_wait3A_193 = tpu.memref_slice %arg6[%dma_wait3A_188, %dma_wait3A_191, %dma_wait3A_192] : memref<7x128x128xf32, #tpu.memory_space<vmem>> -> memref<1x128x128xf32, #tpu.memory_space<vmem>>
    %dma_wait3A_194 = tpu.memref_squeeze %dma_wait3A_193 : memref<1x128x128xf32, #tpu.memory_space<vmem>> -> memref<128x128xf32, #tpu.memory_space<vmem>>
    %dma_wait3A_195 = arith.constant 0 : i32
    %dma_wait3A_196 = tpu.memref_slice %arg4[%dma_wait3A_189, %mul3A_2, %dma_wait3A_195] : memref<50x4096x128xf32, #tpu.memory_space<hbm>> -> memref<1x128x128xf32, #tpu.memory_space<hbm>>
    %dma_wait3A_197 = tpu.memref_squeeze %dma_wait3A_196 : memref<1x128x128xf32, #tpu.memory_space<hbm>> -> memref<128x128xf32, #tpu.memory_space<hbm>>
    %dma_wait3A_198 = tpu.memref_slice %arg8[%dma_wait3A_190] : memref<7x!tpu.dma_semaphore, #tpu.memory_space<semaphore_mem>> -> memref<1x!tpu.dma_semaphore, #tpu.memory_space<semaphore_mem>>
    %dma_wait3A_199 = tpu.memref_squeeze %dma_wait3A_198 : memref<1x!tpu.dma_semaphore, #tpu.memory_space<semaphore_mem>> -> memref<!tpu.dma_semaphore, #tpu.memory_space<semaphore_mem>>
    %dma_wait3A_200 = arith.constant 0 : i32
    %dma_wait3A_201 = tpu.memref_slice %arg4[%dma_wait3A_189, %mul3A_2, %dma_wait3A_200] : memref<50x4096x128xf32, #tpu.memory_space<hbm>> -> memref<1x128x128xf32, #tpu.memory_space<hbm>>
    %dma_wait3A_202 = tpu.memref_squeeze %dma_wait3A_201 : memref<1x128x128xf32, #tpu.memory_space<hbm>> -> memref<128x128xf32, #tpu.memory_space<hbm>>
    %dma_wait3A_203 = arith.constant 0 : i32
    %dma_wait3A_204 = arith.constant 0 : i32
    %dma_wait3A_205 = tpu.memref_slice %arg6[%dma_wait3A_188, %dma_wait3A_203, %dma_wait3A_204] : memref<7x128x128xf32, #tpu.memory_space<vmem>> -> memref<1x128x128xf32, #tpu.memory_space<vmem>>
    %dma_wait3A_206 = tpu.memref_squeeze %dma_wait3A_205 : memref<1x128x128xf32, #tpu.memory_space<vmem>> -> memref<128x128xf32, #tpu.memory_space<vmem>>
    tpu.wait_dma2 semaphore(%dma_wait3A_199 : memref<!tpu.dma_semaphore, #tpu.memory_space<semaphore_mem>>) src(%dma_wait3A_206 : memref<128x128xf32, #tpu.memory_space<vmem>>) dst(%dma_wait3A_202 : memref<128x128xf32, #tpu.memory_space<hbm>>)
    %dma_wait3A_207 = arith.constant 6 : i32
    %dma_wait3A_208 = arith.constant 48 : i32
    %dma_wait3A_209 = arith.constant 6 : i32
    %dma_wait3A_210 = arith.constant 0 : i32
    %dma_wait3A_211 = arith.constant 0 : i32
    %dma_wait3A_212 = tpu.memref_slice %arg6[%dma_wait3A_207, %dma_wait3A_210, %dma_wait3A_211] : memref<7x128x128xf32, #tpu.memory_space<vmem>> -> memref<1x128x128xf32, #tpu.memory_space<vmem>>
    %dma_wait3A_213 = tpu.memref_squeeze %dma_wait3A_212 : memref<1x128x128xf32, #tpu.memory_space<vmem>> -> memref<128x128xf32, #tpu.memory_space<vmem>>
    %dma_wait3A_214 = arith.constant 0 : i32
    %dma_wait3A_215 = tpu.memref_slice %arg4[%dma_wait3A_208, %mul3A_2, %dma_wait3A_214] : memref<50x4096x128xf32, #tpu.memory_space<hbm>> -> memref<1x128x128xf32, #tpu.memory_space<hbm>>
    %dma_wait3A_216 = tpu.memref_squeeze %dma_wait3A_215 : memref<1x128x128xf32, #tpu.memory_space<hbm>> -> memref<128x128xf32, #tpu.memory_space<hbm>>
    %dma_wait3A_217 = tpu.memref_slice %arg8[%dma_wait3A_209] : memref<7x!tpu.dma_semaphore, #tpu.memory_space<semaphore_mem>> -> memref<1x!tpu.dma_semaphore, #tpu.memory_space<semaphore_mem>>
    %dma_wait3A_218 = tpu.memref_squeeze %dma_wait3A_217 : memref<1x!tpu.dma_semaphore, #tpu.memory_space<semaphore_mem>> -> memref<!tpu.dma_semaphore, #tpu.memory_space<semaphore_mem>>
    %dma_wait3A_219 = arith.constant 0 : i32
    %dma_wait3A_220 = tpu.memref_slice %arg4[%dma_wait3A_208, %mul3A_2, %dma_wait3A_219] : memref<50x4096x128xf32, #tpu.memory_space<hbm>> -> memref<1x128x128xf32, #tpu.memory_space<hbm>>
    %dma_wait3A_221 = tpu.memref_squeeze %dma_wait3A_220 : memref<1x128x128xf32, #tpu.memory_space<hbm>> -> memref<128x128xf32, #tpu.memory_space<hbm>>
    %dma_wait3A_222 = arith.constant 0 : i32
    %dma_wait3A_223 = arith.constant 0 : i32
    %dma_wait3A_224 = tpu.memref_slice %arg6[%dma_wait3A_207, %dma_wait3A_222, %dma_wait3A_223] : memref<7x128x128xf32, #tpu.memory_space<vmem>> -> memref<1x128x128xf32, #tpu.memory_space<vmem>>
    %dma_wait3A_225 = tpu.memref_squeeze %dma_wait3A_224 : memref<1x128x128xf32, #tpu.memory_space<vmem>> -> memref<128x128xf32, #tpu.memory_space<vmem>>
    tpu.wait_dma2 semaphore(%dma_wait3A_218 : memref<!tpu.dma_semaphore, #tpu.memory_space<semaphore_mem>>) src(%dma_wait3A_225 : memref<128x128xf32, #tpu.memory_space<vmem>>) dst(%dma_wait3A_221 : memref<128x128xf32, #tpu.memory_space<hbm>>)
    %dma_wait3A_226 = arith.constant 0 : i32
    %dma_wait3A_227 = arith.constant 49 : i32
    %dma_wait3A_228 = arith.constant 0 : i32
    %dma_wait3A_229 = arith.constant 0 : i32
    %dma_wait3A_230 = arith.constant 0 : i32
    %dma_wait3A_231 = tpu.memref_slice %arg6[%dma_wait3A_226, %dma_wait3A_229, %dma_wait3A_230] : memref<7x128x128xf32, #tpu.memory_space<vmem>> -> memref<1x128x128xf32, #tpu.memory_space<vmem>>
    %dma_wait3A_232 = tpu.memref_squeeze %dma_wait3A_231 : memref<1x128x128xf32, #tpu.memory_space<vmem>> -> memref<128x128xf32, #tpu.memory_space<vmem>>
    %dma_wait3A_233 = arith.constant 0 : i32
    %dma_wait3A_234 = tpu.memref_slice %arg4[%dma_wait3A_227, %mul3A_2, %dma_wait3A_233] : memref<50x4096x128xf32, #tpu.memory_space<hbm>> -> memref<1x128x128xf32, #tpu.memory_space<hbm>>
    %dma_wait3A_235 = tpu.memref_squeeze %dma_wait3A_234 : memref<1x128x128xf32, #tpu.memory_space<hbm>> -> memref<128x128xf32, #tpu.memory_space<hbm>>
    %dma_wait3A_236 = tpu.memref_slice %arg8[%dma_wait3A_228] : memref<7x!tpu.dma_semaphore, #tpu.memory_space<semaphore_mem>> -> memref<1x!tpu.dma_semaphore, #tpu.memory_space<semaphore_mem>>
    %dma_wait3A_237 = tpu.memref_squeeze %dma_wait3A_236 : memref<1x!tpu.dma_semaphore, #tpu.memory_space<semaphore_mem>> -> memref<!tpu.dma_semaphore, #tpu.memory_space<semaphore_mem>>
    %dma_wait3A_238 = arith.constant 0 : i32
    %dma_wait3A_239 = tpu.memref_slice %arg4[%dma_wait3A_227, %mul3A_2, %dma_wait3A_238] : memref<50x4096x128xf32, #tpu.memory_space<hbm>> -> memref<1x128x128xf32, #tpu.memory_space<hbm>>
    %dma_wait3A_240 = tpu.memref_squeeze %dma_wait3A_239 : memref<1x128x128xf32, #tpu.memory_space<hbm>> -> memref<128x128xf32, #tpu.memory_space<hbm>>
    %dma_wait3A_241 = arith.constant 0 : i32
    %dma_wait3A_242 = arith.constant 0 : i32
    %dma_wait3A_243 = tpu.memref_slice %arg6[%dma_wait3A_226, %dma_wait3A_241, %dma_wait3A_242] : memref<7x128x128xf32, #tpu.memory_space<vmem>> -> memref<1x128x128xf32, #tpu.memory_space<vmem>>
    %dma_wait3A_244 = tpu.memref_squeeze %dma_wait3A_243 : memref<1x128x128xf32, #tpu.memory_space<vmem>> -> memref<128x128xf32, #tpu.memory_space<vmem>>
    tpu.wait_dma2 semaphore(%dma_wait3A_237 : memref<!tpu.dma_semaphore, #tpu.memory_space<semaphore_mem>>) src(%dma_wait3A_244 : memref<128x128xf32, #tpu.memory_space<vmem>>) dst(%dma_wait3A_240 : memref<128x128xf32, #tpu.memory_space<hbm>>)
    return
  }
}

</mosaic_0001>

<sc_bundles>
// kernel: kernel.3.cloned.1.call-start
scs
__scs_entry_jumppad:
0x0: {  	(pc) =	sbr.rel $0x88, $3  }
0x1: {  	(tag) =	ssettag $0x0;
	lr =	simm.s32 $0x1  }
0x2: {  	[smem:$0x3F9F] =	sst lr;
	_ =	strace $0xD0000000  }
0x3: {  	_ = 	snop  }
0x4: {  	_ = 	snop  }
0x5: {  	_ = 	snop  }
0x6: {  	_ = 	snop  }
0x7: {  	_ = 	snop  }
__scs_overlays_trampoline_lowered:
0x8: {  	[smem:$0x3FAE] =	sst s0  }
0x9: {  	[smem:$0x3FAF] =	sst s1  }
0xa: {  	[smem:$0x3FB0] =	sst s2  }
0xb: {  	[smem:$0x3FB1] =	sst s3  }
0xc: {  	[smem:$0x3FB2] =	sst s4  }
0xd: {  	[smem:$0x3FB3] =	sst s5  }
0xe: {  	[smem:$0x3FB4] =	sst s6  }
0xf: {  	[smem:$0x3FB5] =	sst s7  }
0x10: {  	[smem:$0x3FB6] =	sst s8  }
0x11: {  	[smem:$0x3FB7] =	sst s9;
	s0 =	simm.s32 @!p0 $0x0  }
0x12: {  	s1 =	sld [smem:$0x3F9D];
	s0 =	simm.s32 @p0 $0x1  }
0x13: {  	[smem:$0x3FB8] =	sst s0;
	s0 =	simm.s32 @!p1 $0x0  }
0x14: {  	s2 =	sld [smem:$0x3F9C];
	s0 =	simm.s32 @p1 $0x1  }
0x15: {  	[smem:$0x3FB9] =	sst s0;
	s0 =	simm.s32 @!p2 $0x0  }
0x16: {  	s3 =	sld [smem:$0x3FDB];
	s0 =	simm.s32 @p2 $0x1  }
0x17: {  	s4 =	simm.s32 $0x1BF5;
	[smem:$0x3FBB] =	sst s0  }
0x18: {  	s0 =	sld [smem:$0x3F9E];
	_ =	swait.ge [sflag:s4], $0x0  }
0x19: {  	s7 =	sld [smem:$0x3F9F]  }
0x1a: {  	s8 =	sadd.s32 $0xFFFFE003, lr  }
0x1b: {  	s9 =	sadd.s32 $0xFFFFFEF7, lr;
	s5 =	simm.s32 $0xFFFFFFFF;
	p2 =	slt.u32 s8, $0xFFFFF086  }
0x1c: {  	p1 =	slt.u32 s9, $0xF7A;
	s5 =	simm.s32 @!p2 $0x0  }
0x1d: {  	s5 =	simm.s32 @p1 $0x1;
	p0 =	seq.s32 s7, s2  }
0x1e: {  	s7 =	smul.u32 @!p0 $0xF7A, s2;
	p2 =	seq.s32 @!p0 s5, $0x0  }
0x1f: {  	s9 =	smul.u32 $0xF7A, s1;
	s8 =	simm.s32 @!p0 $0x1BF5;
	p2 =	por !p2, p0  }
0x20: {  	[sflag:s8] =	ssyncset.s32 @!p0 $0xFFFFF086;
	s6 =	sadd.s32 @!p0 s3, s7;
	s7 =	simm.s32 @!p0 $0x108  }
0x21: {  	s3 =	sadd.s32 s3, s9;
	s6 =	sadd.s32 @!p0 $0x88, s6;
	s7 =	simm.s32 @p2 $0x1082  }
0x22: {  	[simem:s7], [sflag:s8] =	dma.local @!p0 [hbm:s6], $0xF7A  }
0x23: {  	s9 =	sor.u32 $0xD0000000, s2;
	s6 =	simm.s32 $0x108;
	_ =	swait.ge @!p0 [sflag:s8], $0x0  }
0x24: {  	s3 =	sadd.s32 $0x88, s3;
	s6 =	simm.s32 @!p1 $0x1082;
	[sflag:s4] =	ssyncset.s32 $0xFFFFF086  }
0x25: {  	[simem:s6], [sflag:s4] =	dma.local [hbm:s3], $0xF7A  }
0x26: {  	[smem:$0x3F9F] =	sst s1;
	(tag) =	ssettag s2;
	_ =	strace s9  }
0x27: {  	s1 =	sld [smem:$0x3FAF]  }
0x28: {  	s2 =	sld [smem:$0x3FB0]  }
0x29: {  	s4 =	sld [smem:$0x3FB2]  }
0x2a: {  	p0 =	seq.s32 s5, $0x0;
	s5 =	sld [smem:$0x3FB3]  }
0x2b: {  	s6 =	sld [smem:$0x3FB4]  }
0x2c: {  	s7 =	sld [smem:$0x3FB5]  }
0x2d: {  	s3 =	simm.s32 $0x108;
	s8 =	sld [smem:$0x3FB6]  }
0x2e: {  	s3 =	simm.s32 @!p0 $0x1082;
	s9 =	sld [smem:$0x3FB7]  }
0x2f: {  	lr =	sadd.s32 s0, s3;
	s0 =	sld [smem:$0x3FAE]  }
0x30: {  	s3 =	sld [smem:$0x3FB1]  }
0x31: {  	[smem:$0x3FBA] =	sst s10  }
0x32: {  	s10 =	sld [smem:$0x3FB8];
	_ =	sdelay $0x3  }
0x33: {  	p0 =	seq.s32 s10, $0x1;
	s10 =	sld [smem:$0x3FBA];
	_ =	sdelay $0x3  }
0x34: {  	[smem:$0x3FBA] =	sst s10  }
0x35: {  	s10 =	sld [smem:$0x3FB9];
	_ =	sdelay $0x3  }
0x36: {  	p1 =	seq.s32 s10, $0x1;
	s10 =	sld [smem:$0x3FBA];
	_ =	sdelay $0x3  }
0x37: {  	[smem:$0x3FBA] =	sst s10  }
0x38: {  	s10 =	sld [smem:$0x3FBB]  }
0x39: {  	_ = 	snop;
	(pc) =	sbr.ind lr, $3  }
0x3a: {  	_ = 	snop  }
0x3b: {  	_ = 	snop  }
0x3c: {  	p2 =	seq.s32 s10, $0x1;
	s10 =	sld [smem:$0x3FBA]  }
0x3d: {  	_ =	shalt  }
0x3e: {  	_ =	shalt  }
0x3f: {  	_ =	shalt  }
0x40: {  	_ =	shalt  }
0x41: {  	_ =	shalt  }
0x42: {  	_ =	shalt  }
0x43: {  	_ =	shalt  }
0x44: {  	_ =	shalt  }
0x45: {  	_ =	shalt  }
0x46: {  	_ =	shalt  }
0x47: {  	_ =	shalt  }
0x48: {  	_ =	shalt  }
0x49: {  	_ =	shalt  }
0x4a: {  	_ =	shalt  }
0x4b: {  	_ =	shalt  }
0x4c: {  	_ =	shalt  }
0x4d: {  	_ =	shalt  }
0x4e: {  	_ =	shalt  }
0x4f: {  	_ =	shalt  }
0x50: {  	_ =	shalt  }
0x51: {  	_ =	shalt  }
0x52: {  	_ =	shalt  }
0x53: {  	_ =	shalt  }
0x54: {  	_ =	shalt  }
0x55: {  	_ =	shalt  }
0x56: {  	_ =	shalt  }
0x57: {  	_ =	shalt  }
0x58: {  	_ =	shalt  }
0x59: {  	_ =	shalt  }
0x5a: {  	_ =	shalt  }
0x5b: {  	_ =	shalt  }
0x5c: {  	_ =	shalt  }
0x5d: {  	_ =	shalt  }
0x5e: {  	_ =	shalt  }
0x5f: {  	_ =	shalt  }
0x60: {  	_ =	shalt  }
0x61: {  	_ =	shalt  }
0x62: {  	_ =	shalt  }
0x63: {  	_ =	shalt  }
0x64: {  	_ =	shalt  }
0x65: {  	_ =	shalt  }
0x66: {  	_ =	shalt  }
0x67: {  	_ =	shalt  }
0x68: {  	_ =	shalt  }
0x69: {  	_ =	shalt  }
0x6a: {  	_ =	shalt  }
0x6b: {  	_ =	shalt  }
0x6c: {  	_ =	shalt  }
0x6d: {  	_ =	shalt  }
0x6e: {  	_ =	shalt  }
0x6f: {  	_ =	shalt  }
0x70: {  	_ =	shalt  }
0x71: {  	_ =	shalt  }
0x72: {  	_ =	shalt  }
0x73: {  	_ =	shalt  }
0x74: {  	_ =	shalt  }
0x75: {  	_ =	shalt  }
0x76: {  	_ =	shalt  }
0x77: {  	_ =	shalt  }
0x78: {  	_ =	shalt  }
0x79: {  	_ =	shalt  }
0x7a: {  	_ =	shalt  }
0x7b: {  	_ =	shalt  }
0x7c: {  	_ =	shalt  }
0x7d: {  	_ =	shalt  }
0x7e: {  	_ =	shalt  }
0x7f: {  	_ =	shalt  }
0x80: {  	_ =	shalt  }
0x81: {  	_ =	shalt  }
0x82: {  	_ =	shalt  }
0x83: {  	_ =	shalt  }
0x84: {  	_ =	shalt  }
0x85: {  	_ =	shalt  }
0x86: {  	_ =	shalt  }
0x87: {  	_ =	shalt  }
.Lfunc_end0:
.L_simem_size_0:
called_computation_lowered:
.L_overlay_start_0:
0x88: {  	s2 =	sld [smem:$0x3FD9]  }
0x89: {  	s3 =	sld [smem:$0x3FFE];
	_ =	sdelay $0x1  }
0x8a: {  	s1 =	srdreg.scid  }
0x8b: {  	s0 =	sand.u32 $0x1, s1  }
0x8c: {  	s17 =	sshll.u32 s0, $0xA;
	s2 =	sadd.s32 s3, s2  }
0x8d: {  	s2 =	sadd.s32 s2, s17  }
0x8e: {  	[smem:$0x3FC6] =	sst s2  }
0x8f: {  	_ = 	snop  }
0x90: {  	s2 =	sld [smem:$0x3FC8]  }
0x91: {  	s18 =	sld [smem:$0x3FD0];
	(tm) =	ssettm $0x1  }
0x92: {  	s4 =	sld [smem:$0x3FFB];
	_ =	sdelay $0x3  }
0x93: {  	_ =	strace s4  }
0x94: {  	s4 =	sld [smem:$0x3FFC];
	_ =	sdelay $0x3  }
0x95: {  	_ =	strace s4  }
0x96: {  	s4 =	sld [smem:$0x3FFD];
	_ =	sdelay $0x3  }
0x97: {  	_ =	strace s4  }
0x98: {  	_ =	strace $0x8FFFFFFF  }
0x99: {  	s19 =	sld [smem:$0x3FDB];
	_ =	sdelay $0x1  }
0x9a: {  	s5 =	simm.s32 $_scs_section_size  }
0x9b: {  	s6 =	simm.s32 $_size__tile_overlayer_lowered;
	s7 =	simm.s32 $_tile_overlayer_lowered  }
0x9c: {  	s22 =	simm.s32 $0x1BFF;
	s21 =	sshll.u32 s7, $0x1;
	s4 =	sadd.s32 s5, s19  }
0x9d: {  	s8 =	simm.s32 $0x0;
	s20 =	sshll.u32 s6, $0x1;
	s6 =	sadd.s32 s21, s4  }
0x9e: {  	[timem:s8], [sflag:s22] =	dma.local [hbm:s6], s20  }
0x9f: {  	_ =	swait.ge [sflag:s22], s20  }
0xa0: {  	s5 =	ssub.s32 $0x0, s20;
	[sflag:s22] =	ssyncset.done $0x0  }
0xa1: {  	[sflag:s22] =	ssyncadd.s32 s5;
	_ =	sdelay $0x1  }
0xa2: {  	s23 =	simm.s32 $0x1B8B  }
0xa3: {  	_ =	swait.ge [sflag:s23], $0x1  }
0xa4: {  	[sflag:s23] =	ssyncset.done $0x0  }
0xa5: {  	s25 =	simm.s32 $0x1B8E;
	s24 =	sld [smem:$0x3FFE];
	[sflag:s23] =	ssyncadd.s32 $0xFFFFFFFF  }
0xa6: {  	s26 =	simm.s32 $execute0_lowered;
	[smem:$0x3FD2] =	sst s25  }
0xa7: {  	s6 =	sshll.u32 s26, $0x1;
	_ =	strace $0x80000046;
	[dreg:$0x1] =	wrdreg $0xFFFFFFFF  }
0xa8: {  	s28 =	simm.s32 $_size_execute0_lowered;
	s4 =	sadd.s32 s4, s6;
	[dreg:$0x0] =	wrdreg $0x0  }
0xa9: {  	s6 =	sshll.u32 s28, $0x1;
	[dreg:$0x2] =	wrdreg s4  }
0xaa: {  	[dreg:$0x3] =	wrdreg s6  }
0xab: {  	[dreg:$0x4] =	wrdreg $0xC0  }
0xac: {  	_ =	task [dreg:s8], $0x5FFFF  }
0xad: {  	[dreg:$0x1] =	wrdreg $0xFFFFFFFF  }
0xae: {  	[dreg:$0x0] =	wrdreg $0x60  }
0xaf: {  	[dreg:$0x2] =	wrdreg s2  }
0xb0: {  	[dreg:$0x3] =	wrdreg s24  }
0xb1: {  	[dreg:$0x4] =	wrdreg s18  }
0xb2: {  	[dreg:$0x5] =	wrdreg $0x9  }
0xb3: {  	_ =	task.clear_ibuf [dreg:s8], $0x6FFFF;
	_ =	strace $0x90000046  }
0xb4: {  	s29 =	simm.s32 $0x9;
	_ =	strace $0x80000048  }
0xb5: {  	_ =	swait.ge [sflag:s29], $0x1  }
0xb6: {  	[sflag:s29] =	ssyncadd.s32 $0xFFFFFFFF  }
0xb7: {  	_ =	strace $0x90000048  }
0xb8: {  	_ =	sfence  }
0xb9: {  	s30 =	sld [smem:$0x0];
	_ =	sdelay $0x2  }
0xba: {  	s31 =	sshll.u32 s1, $0xD;
	s1 =	sshrl.u32 s1, $0x2  }
0xbb: {  	s3 =	sand.u32 $0x4000, s31;
	s1 =	sadd.s32 s1, s30  }
0xbc: {  	s0 =	sor.u32 s3, s0;
	s1 =	sshll.u32 s1, $0x11  }
0xbd: {  	s0 =	sor.u32 s1, s0  }
0xbe: {  	s0 =	sadd.s32 $0x8F2B, s0  }
0xbf: {  	[sflag:s0] =	ssyncadd.remote.s32 $0x1  }
0xc0: {  	_ =	sfence.sel $0xFFFF  }
0xc1: {  	[dreg:$0x0] =	wrdreg $0xFFFFFFFF;
	(pc) =	sbr.abs _section_cstart, $3  }
0xc2: {  	[dreg:$0x1] =	wrdreg $0xFFFFFFFF  }
0xc3: {  	_ =	task.clear_ibuf [dreg:s8], $0x2FFFF;
	_ =	strace $0x9FFFFFFF  }
0xc4: {  	(tm) =	ssettm $0x7FFFFFFF  }
0xc5: {  	_ =	shalt  }
tec
execute0_lowered:
.L_overlay_start_1:
0x0: {  	(tag) =	ssettag $0x1  }
0x1: {  	s1 =	rddreg [dreg:$0x0]  }
0x2: {  	s0 =	rddreg [dreg:$0x1];
	s2 =	srdreg.scid  }
0x3: {  	s7 =	stileid.u32;
	s4 =	rddreg [dreg:$0x2];
	s3 =	simm.s32 $0x0  }
0x4: {  	s8 =	simm.s32 $0x80;
	s16 =	simm.s32 $0x11C00;
	s17 =	simm.s32 $0x280  }
0x5: {  	s18 =	simm.s32 $0x15C00;
	s19 =	simm.s32 $0x19C00;
	s20 =	simm.s32 $0x9  }
0x6: {  	s21 =	simm.s32 $0xA;
	s22 =	simm.s32 $0xB;
	s23 =	simm.s32 $0xC  }
0x7: {  	s24 =	simm.s32 $0xD;
	s25 =	simm.s32 $0xE;
	s26 =	simm.s32 $0x8  }
0x8: {  	s28 =	simm.s32 $0x0;
	s2 =	sand.u32 $0x1, s2;
	s5 =	sshll.u32 s7, $0x1  }
0x9: {  	[smem:$0x7FF] =	sst s3;
	s7 =	sshll.u32 s7, $0xC;
	s5 =	sor.u32 s2, s5  }
0xa: {  	_ =	strace $0x80000047;
	s6 =	ssub.s32 $0x2, s2;
	s5 =	smul.u32 $0x380, s5  }
0xb: {  	s31 =	sadd.s32 s7, s4;
	s2 =	sshll.u32 s2, $0xB;
	s30 =	sshrl.u32 s6, $0x1  }
0xc: {  	s7 =	simm.s32 $0xF;
	s0 =	sadd.s32 s5, s0;
	s5 =	ssub.s32 s6, s30  }
0xd: {  	s6 =	sadd.s32 s2, s31;
	s4 =	sadd.s32 $0x400, s0;
	s5 =	smax.u32 s5, $0x1  }
.LBB2_1:
0xe: {  	[tilespmem:s3], [sflag:$0xF] =	stream.linear.gather [hbm4b:s4+s3], $0x1900, $0x38;
	[tilespmem:$0x1DC00] =	vst v63  }
0xf: {  	_ =	swait.ge [sflag:s7], $0x1900  }
0x10: {  	[sflag:s7] =	ssyncset.done $0x0  }
0x11: {  	s0 =	simm.s32 $0x1C00;
	s11 =	simm.s32 $0x0;
	[sflag:s7] =	ssyncadd.s32 $0xFFFFE700  }
0x12: {  	[tilespmem:s0], [sflag:$0x1] =	stream.indirect.gather [hbm4b:s1+s8], $0x80, s3, s8, $0xb8;
	[tilespmem:$0x1DC00] =	vst v63  }
0x13: {  	s14 =	simm.s32 $0x5C00;
	s0 =	smul.u32 $0x25, s11  }
0x14: {  	[tilespmem:s14], [sflag:$0x2] =	stream.indirect.gather [hbm4b:s1+s8], $0x80, s8, s8, $0xb8;
	[tilespmem:$0x1DC00] =	vst v63  }
0x15: {  	s15 =	simm.s32 $0x100;
	s2 =	simm.s32 $0x9C00;
	s0 =	sshrl.u32 s0, $0x8  }
0x16: {  	[tilespmem:s2], [sflag:$0x3] =	stream.indirect.gather [hbm4b:s1+s8], $0x80, s15, s8, $0xb8;
	[tilespmem:$0x1DC00] =	vst v63  }
0x17: {  	s9 =	simm.s32 $0xDC00;
	s12 =	ssub.s32 $0x0, s0;
	s2 =	simm.s32 $0x180  }
0x18: {  	[tilespmem:s9], [sflag:$0x4] =	stream.indirect.gather [hbm4b:s1+s8], $0x80, s2, s8, $0xb8;
	[tilespmem:$0x1DC00] =	vst v63  }
0x19: {  	s2 =	sand.u32 $0xFE, s12  }
0x1a: {  	s10 =	simm.s32 $0x200;
	p0 =	por $0x1, $0x1;
	s2 =	sshrl.u32 s2, $0x1  }
0x1b: {  	[tilespmem:s16], [sflag:$0x5] =	stream.indirect.gather [hbm4b:s1+s8], $0x80, s10, s8, $0xb8;
	[tilespmem:$0x1DC00] =	vst v63  }
0x1c: {  	s0 =	sadd.s32 s0, s2;
	s2 =	simm.s32 @!p0 $0x6  }
0x1d: {  	s30 =	simm.s32 $0x1;
	s0 =	sand.u32 $0xFC, s0;
	s2 =	smul.u32 @!p0 $0x25, s2  }
0x1e: {  	[tilespmem:s18], [sflag:$0x6] =	stream.indirect.gather [hbm4b:s1+s8], $0x80, s17, s8, $0xb8;
	[tilespmem:$0x1DC00] =	vst v63  }
0x1f: {  	s31 =	smul.u32 $0x25, s30;
	s0 =	sshrl.u32 s0, $0x2  }
0x20: {  	s29 =	simm.s32 $0x300;
	s0 =	smul.u32 $0x7, s0;
	s2 =	sshrl.u32 @!p0 s2, $0x8  }
0x21: {  	[tilespmem:s19], [sflag:$0x7] =	stream.indirect.gather [hbm4b:s1+s8], $0x80, s29, s8, $0xb8;
	[tilespmem:$0x1DC00] =	vst v63  }
0x22: {  	s31 =	sshrl.u32 s31, $0x8;
	s9 =	ssub.s32 @!p0 $0x6, s2  }
0x23: {  	s14 =	ssub.s32 $0x1, s31;
	s0 =	ssub.s32 $0x0, s0;
	s9 =	sand.u32 @!p0 $0xFE, s9  }
0x24: {  	s0 =	sand.u32 $0xFF, s0;
	s9 =	sshrl.u32 @!p0 s9, $0x1;
	p0 =	por p0, p0  }
0x25: {  	s10 =	sadd.s32 $0x1, s0;
	s2 =	sadd.s32 @!p0 s2, s9;
	s13 =	sshll.u32 s0, $0xE  }
0x26: {  	s0 =	sor.u32 $0x8, s0;
	_ =	swait.ge [sflag:s10], $0x4000;
	s2 =	sand.u32 @!p0 $0xFC, s2  }
0x27: {  	s9 =	sor.u32 $0x1C00, s13;
	[sflag:s10] =	ssyncset.done $0x0;
	s2 =	sshrl.u32 @!p0 s2, $0x2  }
0x28: {  	[sflag:s10] =	ssyncadd.s32 $0xFFFFC000;
	s10 =	sand.u32 $0xFE, s14;
	s2 =	smul.u32 @!p0 $0x7, s2  }
0x29: {  	[hbm4b:s6+s3] =	stream.linear.scatter [tilespmem:s9], [sflag:s0], $0x4000, $0x38;
	[tilespmem:$0x1DC00] =	vst v63  }
0x2a: {  	s10 =	sshrl.u32 s10, $0x1;
	s2 =	ssub.s32 @!p0 $0x6, s2  }
0x2b: {  	s15 =	sadd.s32 s31, s10;
	s2 =	sand.u32 @!p0 $0xFF, s2  }
0x2c: {  	p2 =	por $0x0, $0x0;
	s0 =	sand.u32 $0xFC, s15;
	s10 =	sor.u32 @!p0 $0x8, s2  }
0x2d: {  	s31 =	simm.s32 @!p0 $0x80;
	s0 =	sshrl.u32 s0, $0x2;
	_ =	swait.ge @!p0 [sflag:s10], $0x4000  }
0x2e: {  	s9 =	sshll.u32 @!p0 s2, $0xE;
	s2 =	sadd.s32 @!p0 $0x1, s2;
	[sflag:s10] =	ssyncset.done @!p0 $0x0  }
0x2f: {  	s0 =	smul.u32 $0x7, s0;
	s9 =	sor.u32 @!p0 $0x1C00, s9;
	[sflag:s10] =	ssyncadd.s32 @!p0 $0xFFFFC000  }
0x30: {  	[tilespmem:s9], [sflag:s2] =	stream.indirect.gather @!p0 [hbm4b:s1+s31], $0x80, s29, s31, $0xb8;
	[tilespmem:$0x1DC00] =	vst v63  }
0x31: {  	s0 =	ssub.s32 $0x1, s0;
	s2 =	simm.s32 @!p2 $0x7  }
0x32: {  	s9 =	sand.u32 $0xFF, s0;
	s10 =	smul.u32 @!p2 $0x25, s2  }
0x33: {  	s31 =	sadd.s32 $0x10000, s6;
	s0 =	sadd.s32 $0x1, s9  }
.LBB2_2:
0x34: {  	s11 =	sshll.u32 s9, $0xE;
	s10 =	sshrl.u32 @!p2 s10, $0x8;
	s29 =	sadd.s32 $0x80, s29  }
0x35: {  	s13 =	smov.u32 s30;
	s30 =	sadd.s32 $0x1, s30;
	s12 =	ssub.s32 @!p2 s2, s10  }
0x36: {  	s14 =	smul.u32 $0x25, s30;
	p0 =	sne.s32 s30, $0x31;
	s12 =	sand.u32 @!p2 $0xFE, s12  }
0x37: {  	s9 =	sor.u32 $0x8, s9;
	p1 =	por p2, p2;
	s12 =	sshrl.u32 @!p2 s12, $0x1  }
0x38: {  	s11 =	sor.u32 $0x1C00, s11;
	s14 =	sshrl.u32 s14, $0x8;
	s10 =	sadd.s32 @!p1 s10, s12  }
0x39: {  	s12 =	ssub.s32 s30, s14;
	_ =	swait.ge [sflag:s0], $0x4000;
	s10 =	sand.u32 @!p1 $0xFC, s10  }
0x3a: {  	s12 =	sand.u32 $0xFE, s12;
	[sflag:s0] =	ssyncset.done $0x0;
	s10 =	sshrl.u32 @!p1 s10, $0x2  }
0x3b: {  	s12 =	sshrl.u32 s12, $0x1;
	[sflag:s0] =	ssyncadd.s32 $0xFFFFC000;
	s0 =	smul.u32 @!p1 $0x7, s10  }
0x3c: {  	[hbm4b:s31+s3] =	stream.linear.scatter [tilespmem:s11], [sflag:s9], $0x4000, $0x38;
	[tilespmem:$0x1DC00] =	vst v63  }
0x3d: {  	s9 =	sadd.s32 s14, s12;
	s0 =	ssub.s32 @!p1 s2, s0  }
0x3e: {  	s2 =	sand.u32 $0xFC, s9;
	s0 =	sand.u32 @!p1 $0xFF, s0  }
0x3f: {  	s2 =	sshrl.u32 s2, $0x2;
	s9 =	sshll.u32 @!p1 s0, $0xE;
	s11 =	sadd.s32 @!p1 $0x1, s0  }
0x40: {  	s15 =	simm.s32 @!p1 $0x80;
	s2 =	smul.u32 $0x7, s2;
	s12 =	sor.u32 @!p1 $0x1C00, s9  }
.Ltmp0:
0x41: {  	s31 =	sadd.s32 $0x10000, s31;
	s14 =	sor.u32 @!p1 $0x8, s0;
	(pc) =	sbr.rel @p0 .LBB2_2-.Ltmp0, $4  }
0x42: {  	p2 =	sgt.u32 s13, $0x2A;
	s0 =	ssub.s32 s30, s2;
	_ =	swait.ge @!p1 [sflag:s14], $0x4000  }
0x43: {  	s2 =	sadd.s32 @!p2 $0x7, s13;
	s9 =	sand.u32 $0xFF, s0;
	[sflag:s14] =	ssyncset.done @!p1 $0x0  }
0x44: {  	s10 =	smul.u32 @!p2 $0x25, s2;
	s0 =	sadd.s32 $0x1, s9;
	[sflag:s14] =	ssyncadd.s32 @!p1 $0xFFFFC000  }
0x45: {  	[tilespmem:s12], [sflag:s11] =	stream.indirect.gather @!p1 [hbm4b:s1+s15], $0x80, s29, s15, $0xb8;
	[tilespmem:$0x1DC00] =	vst v63  }
0x46: {  	s10 =	sshrl.u32 @!p2 s10, $0x8  }
0x47: {  	s11 =	ssub.s32 @!p2 s2, s10  }
0x48: {  	s11 =	sand.u32 @!p2 $0xFE, s11  }
0x49: {  	p0 =	por p2, p2;
	s11 =	sshrl.u32 @!p2 s11, $0x1  }
0x4a: {  	s10 =	sadd.s32 @!p0 s10, s11  }
0x4b: {  	s15 =	sshll.u32 s9, $0xE;
	_ =	swait.ge [sflag:s0], $0x4000;
	s10 =	sand.u32 @!p0 $0xFC, s10  }
0x4c: {  	s30 =	sor.u32 $0x8, s9;
	[sflag:s0] =	ssyncset.done $0x0;
	s10 =	sshrl.u32 @!p0 s10, $0x2  }
0x4d: {  	[sflag:s0] =	ssyncadd.s32 $0xFFFFC000;
	s11 =	sor.u32 $0x1C00, s15;
	s0 =	smul.u32 @!p0 $0x7, s10  }
0x4e: {  	[hbm4b:s31+s3] =	stream.linear.scatter [tilespmem:s11], [sflag:s30], $0x4000, $0x38;
	[tilespmem:$0x1DC00] =	vst v63  }
0x4f: {  	s0 =	ssub.s32 @!p0 s2, s0  }
0x50: {  	s0 =	sand.u32 @!p0 $0xFF, s0  }
0x51: {  	s2 =	sor.u32 @!p0 $0x8, s0  }
0x52: {  	s9 =	sadd.s32 $0x80, s29;
	_ =	swait.ge @!p0 [sflag:s2], $0x4000  }
0x53: {  	s11 =	simm.s32 @!p0 $0x80;
	s10 =	sshll.u32 @!p0 s0, $0xE;
	[sflag:s2] =	ssyncset.done @!p0 $0x0  }
0x54: {  	s0 =	sadd.s32 @!p0 $0x1, s0;
	s10 =	sor.u32 @!p0 $0x1C00, s10;
	[sflag:s2] =	ssyncadd.s32 @!p0 $0xFFFFC000  }
0x55: {  	[tilespmem:s10], [sflag:s0] =	stream.indirect.gather @!p0 [hbm4b:s1+s11], $0x80, s9, s11, $0xb8;
	[tilespmem:$0x1DC00] =	vst v63  }
0x56: {  	_ =	swait.ge [sflag:s20], $0x4000  }
0x57: {  	[sflag:s20] =	ssyncset.done $0x0  }
0x58: {  	[sflag:s20] =	ssyncadd.s32 $0xFFFFC000  }
0x59: {  	_ =	swait.ge [sflag:s21], $0x4000  }
0x5a: {  	[sflag:s21] =	ssyncset.done $0x0  }
0x5b: {  	[sflag:s21] =	ssyncadd.s32 $0xFFFFC000  }
0x5c: {  	_ =	swait.ge [sflag:s22], $0x4000  }
0x5d: {  	[sflag:s22] =	ssyncset.done $0x0  }
0x5e: {  	[sflag:s22] =	ssyncadd.s32 $0xFFFFC000  }
0x5f: {  	_ =	swait.ge [sflag:s23], $0x4000  }
0x60: {  	[sflag:s23] =	ssyncset.done $0x0  }
0x61: {  	[sflag:s23] =	ssyncadd.s32 $0xFFFFC000  }
0x62: {  	_ =	swait.ge [sflag:s24], $0x4000  }
0x63: {  	[sflag:s24] =	ssyncset.done $0x0  }
0x64: {  	s28 =	sadd.s32 $0x1, s28;
	[sflag:s24] =	ssyncadd.s32 $0xFFFFC000  }
0x65: {  	p0 =	sne.s32 s28, s5;
	_ =	swait.ge [sflag:s25], $0x4000  }
.Ltmp1:
0x66: {  	[sflag:s25] =	ssyncset.done $0x0;
	(pc) =	sbr.rel @p0 .LBB2_1-.Ltmp1, $4  }
0x67: {  	[sflag:s25] =	ssyncadd.s32 $0xFFFFC000  }
0x68: {  	_ =	swait.ge [sflag:s26], $0x4000  }
0x69: {  	[sflag:s26] =	ssyncset.done $0x0  }
0x6a: {  	[sflag:s26] =	ssyncadd.s32 $0xFFFFC000  }
0x6b: {  	_ =	sfence.sel $0x180000  }
0x6c: {  	[bflag:$0x0] =	sbarrier.arrive $0xFFFF  }
0x6d: {  	_ =	strace $0x90000047  }
0x6e: {  	s0 =	stileid.u32;
	[bflag:$0x2] =	sbarrier.arrive $0xFFFF  }
0x6f: {  	p0 =	sne.s32 s0, $0x0;
	s0 =	rddreg [dreg:$0x3]  }
0x70: {  	s0 =	sadd.s32 @!p0 $0x100000, s0  }
0x71: {  	[sflag:s0] =	ssyncadd.tile.s32 @!p0 $0x1;
	_ =	shalt  }
.Lfunc_end2:
_tile_overlayer_lowered:
.L_overlay_start_2:
0x72: {  	(tag) =	ssettag $0x2  }
0x73: {  	s0 =	rddreg [dreg:$0x0];
	s2 =	stileid.u32  }
0x74: {  	s1 =	rddreg [dreg:$0x1];
	p0 =	sne.s32 s2, $0x0  }
0x75: {  	s3 =	rddreg [dreg:$0x2];
	[bflag:$0x3] =	sbarrier.arrive $0xFFFF;
	s2 =	simm.s32 @!p0 $0x1C0F  }
0x76: {  	[timem:s3], [sflag:s2] =	dma.local @!p0 [hbm:s0], s1  }
0x77: {  	s0 =	simm.s32 @!p0 $0xF  }
0x78: {  	_ =	swait.ge @!p0 [sflag:s0], s1  }
0x79: {  	s1 =	ssub.s32 @!p0 $0x0, s1;
	[sflag:s0] =	ssyncset.done @!p0 $0x0  }
0x7a: {  	[sflag:s0] =	ssyncadd.s32 @!p0 s1  }
0x7b: {  	[bflag:$0x3] =	sbarrier.arrive $0xFFFF  }
0x7c: {  	_ =	shalt  }

</sc_bundles>
